<compile_context>
chip_gen: v7x
topology: tpu7x:2x2x1
jax: 0.10.2.dev20260603
libtpu: 0.0.44.dev20260713+nightly
codegen_flags: <defaults>
</compile_context>

<pallas_src>
import functools

import jax
import jax.numpy as jnp
from jax import lax
from jax.experimental import pallas as pl
from jax.experimental.pallas import tpu as pltpu
from jax.experimental.pallas import tpu_sc as plsc

NNZ = 2_000_000
T_ROWS = 50_000
NROWS = 10_000
RANK = 16
NC, NS = 2, 16
NW = NC * NS
NGRP = 4
RPG = RANK // NGRP
NPART = NW // NGRP
NNZ_P = NNZ // NPART
CHUNK = 2_000
NCH = NNZ_P // CHUNK
STEPS = CHUNK // 16

_mesh = plsc.VectorSubcoreMesh(
    core_axis_name="c", subcore_axis_name="s", num_cores=NC, num_subcores=NS)


@functools.partial(
    pl.kernel,
    out_type=jax.ShapeDtypeStruct((NGRP * NNZ,), jnp.float32),
    mesh=_mesh,
    scratch_types=[
        pltpu.VMEM((3 * RPG, NROWS), jnp.float32),
        pltpu.VMEM((CHUNK,), jnp.int32),
        pltpu.VMEM((CHUNK,), jnp.int32),
        pltpu.VMEM((CHUNK,), jnp.int32),
        pltpu.VMEM((CHUNK,), jnp.float32),
    ],
    compiler_params=pltpu.CompilerParams(use_tc_tiling_on_sc=False,
                                         needs_layout_passes=False),
)
def _sc_partial(s0_hbm, s1_hbm, s2_hbm, tabs_hbm, out_hbm,
                tab_v, s0_v, s1_v, s2_v, acc_v):
    wid = lax.axis_index("s") * NC + lax.axis_index("c")
    g = wid % NGRP
    p = wid // NGRP
    for t in range(3):
        pltpu.sync_copy(tabs_hbm.at[pl.ds(t * RANK + g * RPG, RPG)],
                        tab_v.at[pl.ds(t * RPG, RPG)])

    def chunk_body(cix, _):
        base = p * NNZ_P + cix * CHUNK
        pltpu.sync_copy(s0_hbm.at[pl.ds(base, CHUNK)], s0_v)
        pltpu.sync_copy(s1_hbm.at[pl.ds(base, CHUNK)], s1_v)
        pltpu.sync_copy(s2_hbm.at[pl.ds(base, CHUNK)], s2_v)

        def step(j, _):
            s0 = s0_v[pl.ds(j * 16, 16)]
            s1 = s1_v[pl.ds(j * 16, 16)]
            s2 = s2_v[pl.ds(j * 16, 16)]
            acc = jnp.zeros((16,), jnp.float32)
            for r in range(RPG):
                w = plsc.load_gather(
                    tab_v, [jnp.full((16,), r, jnp.int32), s0])
                u = plsc.load_gather(
                    tab_v, [jnp.full((16,), RPG + r, jnp.int32), s1])
                m = plsc.load_gather(
                    tab_v, [jnp.full((16,), 2 * RPG + r, jnp.int32), s2])
                acc = acc + w * u * m
            acc_v[pl.ds(j * 16, 16)] = acc
            return _

        lax.fori_loop(0, STEPS, step, None)
        pltpu.sync_copy(acc_v, out_hbm.at[pl.ds(g * NNZ + base, CHUNK)])
        return _

    lax.fori_loop(0, NCH, chunk_body, None)


_LD_BLK = 400_000
_LD_GRID = NNZ // _LD_BLK


def _tc_logdot_body(part_ref, vals_ref, out_ref):
    k = pl.program_id(0)
    a = (part_ref[0] + part_ref[1] + part_ref[2] + part_ref[3])
    ll = jnp.sum(vals_ref[0] * jnp.log(jnp.clip(a, 1e-10, None)))

    @pl.when(k == 0)
    def _():
        out_ref[0, 0] = ll

    @pl.when(k > 0)
    def _():
        out_ref[0, 0] += ll


_tc_logdot = pl.pallas_call(
    _tc_logdot_body,
    grid=(_LD_GRID,),
    in_specs=[
        pl.BlockSpec((NGRP, _LD_BLK), lambda k: (0, k)),
        pl.BlockSpec((1, _LD_BLK), lambda k: (0, k)),
    ],
    out_specs=pl.BlockSpec((1, 1), lambda k: (0, 0),
                           memory_space=pltpu.SMEM),
    out_shape=jax.ShapeDtypeStruct((1, 1), jnp.float32),
)


def _tc_final_body(w_ref, ul_ref, um_ref, ll_ref, out_ref):
    sw = jnp.sum(w_ref[...], axis=0)
    su = jnp.sum(ul_ref[...], axis=0)
    sm = jnp.sum(um_ref[...], axis=0)
    sum_m = jnp.sum(sw * su * sm)
    out_ref[0, 0] = -((ll_ref[0, 0] - sum_m) / T_ROWS)


_tc_final = pl.pallas_call(
    _tc_final_body,
    in_specs=[
        pl.BlockSpec(memory_space=pltpu.VMEM),
        pl.BlockSpec(memory_space=pltpu.VMEM),
        pl.BlockSpec(memory_space=pltpu.VMEM),
        pl.BlockSpec(memory_space=pltpu.SMEM),
    ],
    out_specs=pl.BlockSpec(memory_space=pltpu.SMEM),
    out_shape=jax.ShapeDtypeStruct((1, 1), jnp.float32),
)


def kernel(subs, vals, W0, Ul, Um):
    tabs = jnp.concatenate([W0[:NROWS].T, Ul.T, Um.T], axis=0)
    part = _sc_partial(subs[0], subs[1], subs[2], tabs)
    ll = _tc_logdot(part.reshape(NGRP, NNZ), vals.reshape(1, NNZ))
    res = _tc_final(W0, Ul, Um, ll)
    return res[0, 0]

# --- scband reference (transcript-rebuilt; emitter-appended) ---
"""Pipeline reference for scband-cntf-83683142795462 (READ-ONLY COPY).

The authoritative reference and input builder live on the scoring server;
editing this copy changes nothing except your own understanding.
"""

import jax, jax.numpy as jnp
import numpy as np

NNZ = 2000000
T, NL, NM, RANK = 50000, 10000, 10000, 16

def setup_inputs(seed: int = 0) -> dict:
    key = jax.random.key(seed)
    k1, k2, k3, k4, k5 = jax.random.split(key, 5)
    subs = jax.random.randint(k1, (3, NNZ), 0, 10000, dtype=jnp.int32)
    vals = jax.random.uniform(k2, (NNZ,), dtype=jnp.float32) * 5.0
    W0 = jax.random.uniform(k3, (T, RANK), dtype=jnp.float32)
    Ul = jax.random.uniform(k4, (NL, RANK), dtype=jnp.float32)
    Um = jax.random.uniform(k5, (NM, RANK), dtype=jnp.float32)
    return {"subs": subs, "vals": vals, "W0": W0, "Ul": Ul, "Um": Um}

def reference(subs, vals, W0, Ul, Um):
    # loglikelihood for the single sparse tensor p=0 (idx=[0], len(Xs)=1)
    sum_M = (W0.sum(axis=0) * Ul.sum(axis=0) * Um.sum(axis=0)).sum()
    A = W0[subs[0, :], :] * Ul[subs[1, :], :] * Um[subs[2, :], :]
    ll = (vals * jnp.log(jnp.clip(A.sum(axis=1), 1e-10, None))).sum() - sum_M
    ll = ll / W0.shape[0]
    # forward returns -reduce(add, [ll]) / len(Xs) with len(Xs)=1
    return -ll

if __name__ == "__main__":
    import jax
    _d = setup_inputs()
    print(jax.jit(kernel)(*tuple(_d.values())))

</pallas_src>

<mosaic_0001>
#map = affine_map<(d0, d1) -> (0)>
#map1 = affine_map<(d0, d1) -> (0, 0)>
module attributes {stable_mosaic.version = 14 : i64} {
  func.func @_sc_partial(%arg0: i32, %arg1: i32, %arg2: memref<2000000xi32, #tpu.memory_space<hbm>>, %arg3: memref<2000000xi32, #tpu.memory_space<hbm>>, %arg4: memref<2000000xi32, #tpu.memory_space<hbm>>, %arg5: memref<48x10000xf32, #tpu.memory_space<hbm>>, %arg6: memref<8000000xf32, #tpu.memory_space<hbm>>, %arg7: memref<12x10000xf32, #tpu.memory_space<vmem>>, %arg8: memref<2000xi32, #tpu.memory_space<vmem>>, %arg9: memref<2000xi32, #tpu.memory_space<vmem>>, %arg10: memref<2000xi32, #tpu.memory_space<vmem>>, %arg11: memref<2000xf32, #tpu.memory_space<vmem>>) attributes {dimension_semantics = [#tpu.dimension_semantics<core_parallel>, #tpu.dimension_semantics<subcore_parallel>], iteration_bounds = array<i64: 2, 16>, scalar_prefetch = 0 : i64, scratch_operands = 5 : i64, tpu.core_type = #tpu.core_type<sc_vector_subcore>, window_params = [{transform_indices = #map}, {transform_indices = #map}, {transform_indices = #map}, {transform_indices = #map1}, {transform_indices = #map}]} {
    %mul3A = arith.constant 2 : i32
    %mul3A_0 = arith.muli %arg1, %mul3A : i32
    %add3A = arith.addi %mul3A_0, %arg0 : i32
    %jit3A = arith.constant 4 : i32
    %eq3A = arith.constant 0 : i32
    %eq3A_1 = arith.cmpi eq, %jit3A, %eq3A : i32
    %jit3A_2 = arith.constant 1 : i32
    %select_n3A = arith.select %eq3A_1, %jit3A_2, %jit3A : i32
    %rem3A = arith.remsi %add3A, %select_n3A : i32
    %ne3A = arith.constant 0 : i32
    %ne3A_3 = arith.cmpi ne, %rem3A, %ne3A : i32
    %lt3A = arith.constant 0 : i32
    %lt3A_4 = arith.cmpi slt, %rem3A, %lt3A : i32
    %lt3A_5 = arith.constant 0 : i32
    %lt3A_6 = arith.cmpi slt, %select_n3A, %lt3A_5 : i32
    %ne3A_7 = arith.xori %lt3A_4, %lt3A_6 : i1
    %and3A = arith.andi %ne3A_7, %ne3A_3 : i1
    %add3A_8 = arith.addi %rem3A, %select_n3A : i32
    %select_n3A_9 = arith.select %and3A, %add3A_8, %rem3A : i32
    %jit3A_10 = arith.constant 4 : i32
    %div3A = arith.divsi %add3A, %jit3A_10 : i32
    %sign3A = arith.constant 0 : i32
    %sign3A_11 = arith.cmpi sgt, %add3A, %sign3A : i32
    %sign3A_12 = arith.extui %sign3A_11 : i1 to i32
    %sign3A_13 = arith.constant 0 : i32
    %sign3A_14 = arith.cmpi slt, %add3A, %sign3A_13 : i32
    %sign3A_15 = arith.extui %sign3A_14 : i1 to i32
    %sign3A_16 = arith.subi %sign3A_12, %sign3A_15 : i32
    %sign3A_17 = arith.constant 0 : i32
    %sign3A_18 = arith.cmpi sgt, %jit3A_10, %sign3A_17 : i32
    %sign3A_19 = arith.extui %sign3A_18 : i1 to i32
    %sign3A_20 = arith.constant 0 : i32
    %sign3A_21 = arith.cmpi slt, %jit3A_10, %sign3A_20 : i32
    %sign3A_22 = arith.extui %sign3A_21 : i1 to i32
    %sign3A_23 = arith.subi %sign3A_19, %sign3A_22 : i32
    %ne3A_24 = arith.cmpi ne, %sign3A_16, %sign3A_23 : i32
    %rem3A_25 = arith.remsi %add3A, %jit3A_10 : i32
    %ne3A_26 = arith.constant 0 : i32
    %ne3A_27 = arith.cmpi ne, %rem3A_25, %ne3A_26 : i32
    %and3A_28 = arith.andi %ne3A_24, %ne3A_27 : i1
    %sub3A = arith.constant 1 : i32
    %sub3A_29 = arith.subi %div3A, %sub3A : i32
    %select_n3A_30 = arith.select %and3A_28, %sub3A_29, %div3A : i32
    %mul3A_31 = arith.constant 4 : i32
    %mul3A_32 = arith.muli %select_n3A_9, %mul3A_31 : i32
    %add3A_33 = arith.constant 0 : i32
    %add3A_34 = arith.addi %add3A_33, %mul3A_32 : i32
    "tpu.region"() ({
      %run_scoped3A = tpu.sem_alloc : memref<!tpu.dma_semaphore, #tpu.memory_space<semaphore_mem>>
      %dma_start3A = arith.constant 0 : i32
      %dma_start3A_47 = arith.constant 0 : i32
      %dma_start3A_48 = tpu.memref_slice %arg7[%dma_start3A, %dma_start3A_47] : memref<12x10000xf32, #tpu.memory_space<vmem>> -> memref<4x10000xf32, #tpu.memory_space<vmem>>
      %dma_start3A_49 = arith.constant 0 : i32
      %dma_start3A_50 = tpu.memref_slice %arg5[%add3A_34, %dma_start3A_49] : memref<48x10000xf32, #tpu.memory_space<hbm>> -> memref<4x10000xf32, #tpu.memory_space<hbm>>
      %dma_start3A_51 = arith.constant 0 : i32
      %dma_start3A_52 = arith.constant 0 : i32
      %dma_start3A_53 = tpu.memref_slice %arg7[%dma_start3A_51, %dma_start3A_52] : memref<12x10000xf32, #tpu.memory_space<vmem>> -> memref<4x10000xf32, #tpu.memory_space<vmem>>
      %dma_start3A_54 = arith.constant 0 : i32
      %dma_start3A_55 = tpu.memref_slice %arg5[%add3A_34, %dma_start3A_54] : memref<48x10000xf32, #tpu.memory_space<hbm>> -> memref<4x10000xf32, #tpu.memory_space<hbm>>
      tpu.enqueue_dma source(%dma_start3A_55 : memref<4x10000xf32, #tpu.memory_space<hbm>>) target(%dma_start3A_53 : memref<4x10000xf32, #tpu.memory_space<vmem>>) target_semaphore(%run_scoped3A : memref<!tpu.dma_semaphore, #tpu.memory_space<semaphore_mem>>)
      %dma_wait3A = arith.constant 0 : i32
      %dma_wait3A_56 = arith.constant 0 : i32
      %dma_wait3A_57 = tpu.memref_slice %arg7[%dma_wait3A, %dma_wait3A_56] : memref<12x10000xf32, #tpu.memory_space<vmem>> -> memref<4x10000xf32, #tpu.memory_space<vmem>>
      %dma_wait3A_58 = arith.constant 0 : i32
      %dma_wait3A_59 = tpu.memref_slice %arg5[%add3A_34, %dma_wait3A_58] : memref<48x10000xf32, #tpu.memory_space<hbm>> -> memref<4x10000xf32, #tpu.memory_space<hbm>>
      %dma_wait3A_60 = arith.constant 0 : i32
      %dma_wait3A_61 = arith.constant 0 : i32
      %dma_wait3A_62 = tpu.memref_slice %arg7[%dma_wait3A_60, %dma_wait3A_61] : memref<12x10000xf32, #tpu.memory_space<vmem>> -> memref<4x10000xf32, #tpu.memory_space<vmem>>
      %dma_wait3A_63 = arith.constant 0 : i32
      %dma_wait3A_64 = tpu.memref_slice %arg5[%add3A_34, %dma_wait3A_63] : memref<48x10000xf32, #tpu.memory_space<hbm>> -> memref<4x10000xf32, #tpu.memory_space<hbm>>
      tpu.wait_dma2 semaphore(%run_scoped3A : memref<!tpu.dma_semaphore, #tpu.memory_space<semaphore_mem>>) src(%dma_wait3A_64 : memref<4x10000xf32, #tpu.memory_space<hbm>>) dst(%dma_wait3A_62 : memref<4x10000xf32, #tpu.memory_space<vmem>>)
      tpu.yield
    }) : () -> ()
    %mul3A_35 = arith.constant 4 : i32
    %mul3A_36 = arith.muli %select_n3A_9, %mul3A_35 : i32
    %add3A_37 = arith.constant 16 : i32
    %add3A_38 = arith.addi %add3A_37, %mul3A_36 : i32
    "tpu.region"() ({
      %run_scoped3A = tpu.sem_alloc : memref<!tpu.dma_semaphore, #tpu.memory_space<semaphore_mem>>
      %dma_start3A = arith.constant 4 : i32
      %dma_start3A_47 = arith.constant 0 : i32
      %dma_start3A_48 = tpu.memref_slice %arg7[%dma_start3A, %dma_start3A_47] : memref<12x10000xf32, #tpu.memory_space<vmem>> -> memref<4x10000xf32, #tpu.memory_space<vmem>>
      %dma_start3A_49 = arith.constant 0 : i32
      %dma_start3A_50 = tpu.memref_slice %arg5[%add3A_38, %dma_start3A_49] : memref<48x10000xf32, #tpu.memory_space<hbm>> -> memref<4x10000xf32, #tpu.memory_space<hbm>>
      %dma_start3A_51 = arith.constant 4 : i32
      %dma_start3A_52 = arith.constant 0 : i32
      %dma_start3A_53 = tpu.memref_slice %arg7[%dma_start3A_51, %dma_start3A_52] : memref<12x10000xf32, #tpu.memory_space<vmem>> -> memref<4x10000xf32, #tpu.memory_space<vmem>>
      %dma_start3A_54 = arith.constant 0 : i32
      %dma_start3A_55 = tpu.memref_slice %arg5[%add3A_38, %dma_start3A_54] : memref<48x10000xf32, #tpu.memory_space<hbm>> -> memref<4x10000xf32, #tpu.memory_space<hbm>>
      tpu.enqueue_dma source(%dma_start3A_55 : memref<4x10000xf32, #tpu.memory_space<hbm>>) target(%dma_start3A_53 : memref<4x10000xf32, #tpu.memory_space<vmem>>) target_semaphore(%run_scoped3A : memref<!tpu.dma_semaphore, #tpu.memory_space<semaphore_mem>>)
      %dma_wait3A = arith.constant 4 : i32
      %dma_wait3A_56 = arith.constant 0 : i32
      %dma_wait3A_57 = tpu.memref_slice %arg7[%dma_wait3A, %dma_wait3A_56] : memref<12x10000xf32, #tpu.memory_space<vmem>> -> memref<4x10000xf32, #tpu.memory_space<vmem>>
      %dma_wait3A_58 = arith.constant 0 : i32
      %dma_wait3A_59 = tpu.memref_slice %arg5[%add3A_38, %dma_wait3A_58] : memref<48x10000xf32, #tpu.memory_space<hbm>> -> memref<4x10000xf32, #tpu.memory_space<hbm>>
      %dma_wait3A_60 = arith.constant 4 : i32
      %dma_wait3A_61 = arith.constant 0 : i32
      %dma_wait3A_62 = tpu.memref_slice %arg7[%dma_wait3A_60, %dma_wait3A_61] : memref<12x10000xf32, #tpu.memory_space<vmem>> -> memref<4x10000xf32, #tpu.memory_space<vmem>>
      %dma_wait3A_63 = arith.constant 0 : i32
      %dma_wait3A_64 = tpu.memref_slice %arg5[%add3A_38, %dma_wait3A_63] : memref<48x10000xf32, #tpu.memory_space<hbm>> -> memref<4x10000xf32, #tpu.memory_space<hbm>>
      tpu.wait_dma2 semaphore(%run_scoped3A : memref<!tpu.dma_semaphore, #tpu.memory_space<semaphore_mem>>) src(%dma_wait3A_64 : memref<4x10000xf32, #tpu.memory_space<hbm>>) dst(%dma_wait3A_62 : memref<4x10000xf32, #tpu.memory_space<vmem>>)
      tpu.yield
    }) : () -> ()
    %mul3A_39 = arith.constant 4 : i32
    %mul3A_40 = arith.muli %select_n3A_9, %mul3A_39 : i32
    %add3A_41 = arith.constant 32 : i32
    %add3A_42 = arith.addi %add3A_41, %mul3A_40 : i32
    "tpu.region"() ({
      %run_scoped3A = tpu.sem_alloc : memref<!tpu.dma_semaphore, #tpu.memory_space<semaphore_mem>>
      %dma_start3A = arith.constant 8 : i32
      %dma_start3A_47 = arith.constant 0 : i32
      %dma_start3A_48 = tpu.memref_slice %arg7[%dma_start3A, %dma_start3A_47] : memref<12x10000xf32, #tpu.memory_space<vmem>> -> memref<4x10000xf32, #tpu.memory_space<vmem>>
      %dma_start3A_49 = arith.constant 0 : i32
      %dma_start3A_50 = tpu.memref_slice %arg5[%add3A_42, %dma_start3A_49] : memref<48x10000xf32, #tpu.memory_space<hbm>> -> memref<4x10000xf32, #tpu.memory_space<hbm>>
      %dma_start3A_51 = arith.constant 8 : i32
      %dma_start3A_52 = arith.constant 0 : i32
      %dma_start3A_53 = tpu.memref_slice %arg7[%dma_start3A_51, %dma_start3A_52] : memref<12x10000xf32, #tpu.memory_space<vmem>> -> memref<4x10000xf32, #tpu.memory_space<vmem>>
      %dma_start3A_54 = arith.constant 0 : i32
      %dma_start3A_55 = tpu.memref_slice %arg5[%add3A_42, %dma_start3A_54] : memref<48x10000xf32, #tpu.memory_space<hbm>> -> memref<4x10000xf32, #tpu.memory_space<hbm>>
      tpu.enqueue_dma source(%dma_start3A_55 : memref<4x10000xf32, #tpu.memory_space<hbm>>) target(%dma_start3A_53 : memref<4x10000xf32, #tpu.memory_space<vmem>>) target_semaphore(%run_scoped3A : memref<!tpu.dma_semaphore, #tpu.memory_space<semaphore_mem>>)
      %dma_wait3A = arith.constant 8 : i32
      %dma_wait3A_56 = arith.constant 0 : i32
      %dma_wait3A_57 = tpu.memref_slice %arg7[%dma_wait3A, %dma_wait3A_56] : memref<12x10000xf32, #tpu.memory_space<vmem>> -> memref<4x10000xf32, #tpu.memory_space<vmem>>
      %dma_wait3A_58 = arith.constant 0 : i32
      %dma_wait3A_59 = tpu.memref_slice %arg5[%add3A_42, %dma_wait3A_58] : memref<48x10000xf32, #tpu.memory_space<hbm>> -> memref<4x10000xf32, #tpu.memory_space<hbm>>
      %dma_wait3A_60 = arith.constant 8 : i32
      %dma_wait3A_61 = arith.constant 0 : i32
      %dma_wait3A_62 = tpu.memref_slice %arg7[%dma_wait3A_60, %dma_wait3A_61] : memref<12x10000xf32, #tpu.memory_space<vmem>> -> memref<4x10000xf32, #tpu.memory_space<vmem>>
      %dma_wait3A_63 = arith.constant 0 : i32
      %dma_wait3A_64 = tpu.memref_slice %arg5[%add3A_42, %dma_wait3A_63] : memref<48x10000xf32, #tpu.memory_space<hbm>> -> memref<4x10000xf32, #tpu.memory_space<hbm>>
      tpu.wait_dma2 semaphore(%run_scoped3A : memref<!tpu.dma_semaphore, #tpu.memory_space<semaphore_mem>>) src(%dma_wait3A_64 : memref<4x10000xf32, #tpu.memory_space<hbm>>) dst(%dma_wait3A_62 : memref<4x10000xf32, #tpu.memory_space<vmem>>)
      tpu.yield
    }) : () -> ()
    %scan3A = arith.constant 0 : i32
    %scan3A_43 = arith.constant 125 : i32
    %scan3A_44 = arith.addi %scan3A, %scan3A_43 : i32
    %scan3A_45 = arith.constant 1 : i32
    scf.for %scan3A_47 = %scan3A to %scan3A_44 step %scan3A_45  : i32 {
      %mul3A_48 = arith.constant 250000 : i32
      %mul3A_49 = arith.muli %select_n3A_30, %mul3A_48 : i32
      %mul3A_50 = arith.constant 2000 : i32
      %mul3A_51 = arith.muli %scan3A_47, %mul3A_50 : i32
      %add3A_52 = arith.addi %mul3A_49, %mul3A_51 : i32
      "tpu.region"() ({
        %run_scoped3A = tpu.sem_alloc : memref<!tpu.dma_semaphore, #tpu.memory_space<semaphore_mem>>
        %dma_start3A = tpu.memref_slice %arg2[%add3A_52] : memref<2000000xi32, #tpu.memory_space<hbm>> -> memref<2000xi32, #tpu.memory_space<hbm>>
        %dma_start3A_61 = tpu.memref_slice %arg2[%add3A_52] : memref<2000000xi32, #tpu.memory_space<hbm>> -> memref<2000xi32, #tpu.memory_space<hbm>>
        tpu.enqueue_dma source(%dma_start3A_61 : memref<2000xi32, #tpu.memory_space<hbm>>) target(%arg8 : memref<2000xi32, #tpu.memory_space<vmem>>) target_semaphore(%run_scoped3A : memref<!tpu.dma_semaphore, #tpu.memory_space<semaphore_mem>>)
        %dma_wait3A = tpu.memref_slice %arg2[%add3A_52] : memref<2000000xi32, #tpu.memory_space<hbm>> -> memref<2000xi32, #tpu.memory_space<hbm>>
        %dma_wait3A_62 = tpu.memref_slice %arg2[%add3A_52] : memref<2000000xi32, #tpu.memory_space<hbm>> -> memref<2000xi32, #tpu.memory_space<hbm>>
        tpu.wait_dma2 semaphore(%run_scoped3A : memref<!tpu.dma_semaphore, #tpu.memory_space<semaphore_mem>>) src(%dma_wait3A_62 : memref<2000xi32, #tpu.memory_space<hbm>>) dst(%arg8 : memref<2000xi32, #tpu.memory_space<vmem>>)
        tpu.yield
      }) : () -> ()
      "tpu.region"() ({
        %run_scoped3A = tpu.sem_alloc : memref<!tpu.dma_semaphore, #tpu.memory_space<semaphore_mem>>
        %dma_start3A = tpu.memref_slice %arg3[%add3A_52] : memref<2000000xi32, #tpu.memory_space<hbm>> -> memref<2000xi32, #tpu.memory_space<hbm>>
        %dma_start3A_61 = tpu.memref_slice %arg3[%add3A_52] : memref<2000000xi32, #tpu.memory_space<hbm>> -> memref<2000xi32, #tpu.memory_space<hbm>>
        tpu.enqueue_dma source(%dma_start3A_61 : memref<2000xi32, #tpu.memory_space<hbm>>) target(%arg9 : memref<2000xi32, #tpu.memory_space<vmem>>) target_semaphore(%run_scoped3A : memref<!tpu.dma_semaphore, #tpu.memory_space<semaphore_mem>>)
        %dma_wait3A = tpu.memref_slice %arg3[%add3A_52] : memref<2000000xi32, #tpu.memory_space<hbm>> -> memref<2000xi32, #tpu.memory_space<hbm>>
        %dma_wait3A_62 = tpu.memref_slice %arg3[%add3A_52] : memref<2000000xi32, #tpu.memory_space<hbm>> -> memref<2000xi32, #tpu.memory_space<hbm>>
        tpu.wait_dma2 semaphore(%run_scoped3A : memref<!tpu.dma_semaphore, #tpu.memory_space<semaphore_mem>>) src(%dma_wait3A_62 : memref<2000xi32, #tpu.memory_space<hbm>>) dst(%arg9 : memref<2000xi32, #tpu.memory_space<vmem>>)
        tpu.yield
      }) : () -> ()
      "tpu.region"() ({
        %run_scoped3A = tpu.sem_alloc : memref<!tpu.dma_semaphore, #tpu.memory_space<semaphore_mem>>
        %dma_start3A = tpu.memref_slice %arg4[%add3A_52] : memref<2000000xi32, #tpu.memory_space<hbm>> -> memref<2000xi32, #tpu.memory_space<hbm>>
        %dma_start3A_61 = tpu.memref_slice %arg4[%add3A_52] : memref<2000000xi32, #tpu.memory_space<hbm>> -> memref<2000xi32, #tpu.memory_space<hbm>>
        tpu.enqueue_dma source(%dma_start3A_61 : memref<2000xi32, #tpu.memory_space<hbm>>) target(%arg10 : memref<2000xi32, #tpu.memory_space<vmem>>) target_semaphore(%run_scoped3A : memref<!tpu.dma_semaphore, #tpu.memory_space<semaphore_mem>>)
        %dma_wait3A = tpu.memref_slice %arg4[%add3A_52] : memref<2000000xi32, #tpu.memory_space<hbm>> -> memref<2000xi32, #tpu.memory_space<hbm>>
        %dma_wait3A_62 = tpu.memref_slice %arg4[%add3A_52] : memref<2000000xi32, #tpu.memory_space<hbm>> -> memref<2000xi32, #tpu.memory_space<hbm>>
        tpu.wait_dma2 semaphore(%run_scoped3A : memref<!tpu.dma_semaphore, #tpu.memory_space<semaphore_mem>>) src(%dma_wait3A_62 : memref<2000xi32, #tpu.memory_space<hbm>>) dst(%arg10 : memref<2000xi32, #tpu.memory_space<vmem>>)
        tpu.yield
      }) : () -> ()
      %scan3A_53 = arith.constant 0 : i32
      %scan3A_54 = arith.constant 125 : i32
      %scan3A_55 = arith.addi %scan3A_53, %scan3A_54 : i32
      %scan3A_56 = arith.constant 1 : i32
      scf.for %scan3A_61 = %scan3A_53 to %scan3A_55 step %scan3A_56  : i32 {
        %mul3A_62 = arith.constant 16 : i32
        %mul3A_63 = arith.muli %scan3A_61, %mul3A_62 : i32
        %get3A = arith.index_cast %mul3A_63 : i32 to index
        %get3A_64 = tpu.vector_load %arg8[%get3A] {strides = array<i32>} : memref<2000xi32, #tpu.memory_space<vmem>>, vector<16xi32>,
        %mul3A_65 = arith.constant 16 : i32
        %mul3A_66 = arith.muli %scan3A_61, %mul3A_65 : i32
        %get3A_67 = arith.index_cast %mul3A_66 : i32 to index
        %get3A_68 = tpu.vector_load %arg9[%get3A_67] {strides = array<i32>} : memref<2000xi32, #tpu.memory_space<vmem>>, vector<16xi32>,
        %mul3A_69 = arith.constant 16 : i32
        %mul3A_70 = arith.muli %scan3A_61, %mul3A_69 : i32
        %get3A_71 = arith.index_cast %mul3A_70 : i32 to index
        %get3A_72 = tpu.vector_load %arg10[%get3A_71] {strides = array<i32>} : memref<2000xi32, #tpu.memory_space<vmem>>, vector<16xi32>,
        %broadcast_in_dim3A = arith.constant 0.000000e+00 : f32
        %broadcast_in_dim3A_73 = vector.broadcast %broadcast_in_dim3A : f32 to vector<16xf32>
        %broadcast_in_dim3A_74 = arith.constant 0 : i32
        %broadcast_in_dim3A_75 = vector.broadcast %broadcast_in_dim3A_74 : i32 to vector<16xi32>
        %gather3A = tpu.vector_load_idx %arg7[%broadcast_in_dim3A_75, %get3A_64] : memref<12x10000xf32, #tpu.memory_space<vmem>>[vector<16xi32>, vector<16xi32>], vector<16xf32>,
        %broadcast_in_dim3A_76 = arith.constant 4 : i32
        %broadcast_in_dim3A_77 = vector.broadcast %broadcast_in_dim3A_76 : i32 to vector<16xi32>
        %gather3A_78 = tpu.vector_load_idx %arg7[%broadcast_in_dim3A_77, %get3A_68] : memref<12x10000xf32, #tpu.memory_space<vmem>>[vector<16xi32>, vector<16xi32>], vector<16xf32>,
        %broadcast_in_dim3A_79 = arith.constant 8 : i32
        %broadcast_in_dim3A_80 = vector.broadcast %broadcast_in_dim3A_79 : i32 to vector<16xi32>
        %gather3A_81 = tpu.vector_load_idx %arg7[%broadcast_in_dim3A_80, %get3A_72] : memref<12x10000xf32, #tpu.memory_space<vmem>>[vector<16xi32>, vector<16xi32>], vector<16xf32>,
        %mul3A_82 = arith.mulf %gather3A, %gather3A_78 : vector<16xf32>
        %mul3A_83 = arith.mulf %mul3A_82, %gather3A_81 : vector<16xf32>
        %add3A_84 = arith.addf %broadcast_in_dim3A_73, %mul3A_83 : vector<16xf32>
        %broadcast_in_dim3A_85 = arith.constant 1 : i32
        %broadcast_in_dim3A_86 = vector.broadcast %broadcast_in_dim3A_85 : i32 to vector<16xi32>
        %gather3A_87 = tpu.vector_load_idx %arg7[%broadcast_in_dim3A_86, %get3A_64] : memref<12x10000xf32, #tpu.memory_space<vmem>>[vector<16xi32>, vector<16xi32>], vector<16xf32>,
        %broadcast_in_dim3A_88 = arith.constant 5 : i32
        %broadcast_in_dim3A_89 = vector.broadcast %broadcast_in_dim3A_88 : i32 to vector<16xi32>
        %gather3A_90 = tpu.vector_load_idx %arg7[%broadcast_in_dim3A_89, %get3A_68] : memref<12x10000xf32, #tpu.memory_space<vmem>>[vector<16xi32>, vector<16xi32>], vector<16xf32>,
        %broadcast_in_dim3A_91 = arith.constant 9 : i32
        %broadcast_in_dim3A_92 = vector.broadcast %broadcast_in_dim3A_91 : i32 to vector<16xi32>
        %gather3A_93 = tpu.vector_load_idx %arg7[%broadcast_in_dim3A_92, %get3A_72] : memref<12x10000xf32, #tpu.memory_space<vmem>>[vector<16xi32>, vector<16xi32>], vector<16xf32>,
        %mul3A_94 = arith.mulf %gather3A_87, %gather3A_90 : vector<16xf32>
        %mul3A_95 = arith.mulf %mul3A_94, %gather3A_93 : vector<16xf32>
        %add3A_96 = arith.addf %add3A_84, %mul3A_95 : vector<16xf32>
        %broadcast_in_dim3A_97 = arith.constant 2 : i32
        %broadcast_in_dim3A_98 = vector.broadcast %broadcast_in_dim3A_97 : i32 to vector<16xi32>
        %gather3A_99 = tpu.vector_load_idx %arg7[%broadcast_in_dim3A_98, %get3A_64] : memref<12x10000xf32, #tpu.memory_space<vmem>>[vector<16xi32>, vector<16xi32>], vector<16xf32>,
        %broadcast_in_dim3A_100 = arith.constant 6 : i32
        %broadcast_in_dim3A_101 = vector.broadcast %broadcast_in_dim3A_100 : i32 to vector<16xi32>
        %gather3A_102 = tpu.vector_load_idx %arg7[%broadcast_in_dim3A_101, %get3A_68] : memref<12x10000xf32, #tpu.memory_space<vmem>>[vector<16xi32>, vector<16xi32>], vector<16xf32>,
        %broadcast_in_dim3A_103 = arith.constant 10 : i32
        %broadcast_in_dim3A_104 = vector.broadcast %broadcast_in_dim3A_103 : i32 to vector<16xi32>
        %gather3A_105 = tpu.vector_load_idx %arg7[%broadcast_in_dim3A_104, %get3A_72] : memref<12x10000xf32, #tpu.memory_space<vmem>>[vector<16xi32>, vector<16xi32>], vector<16xf32>,
        %mul3A_106 = arith.mulf %gather3A_99, %gather3A_102 : vector<16xf32>
        %mul3A_107 = arith.mulf %mul3A_106, %gather3A_105 : vector<16xf32>
        %add3A_108 = arith.addf %add3A_96, %mul3A_107 : vector<16xf32>
        %broadcast_in_dim3A_109 = arith.constant 3 : i32
        %broadcast_in_dim3A_110 = vector.broadcast %broadcast_in_dim3A_109 : i32 to vector<16xi32>
        %gather3A_111 = tpu.vector_load_idx %arg7[%broadcast_in_dim3A_110, %get3A_64] : memref<12x10000xf32, #tpu.memory_space<vmem>>[vector<16xi32>, vector<16xi32>], vector<16xf32>,
        %broadcast_in_dim3A_112 = arith.constant 7 : i32
        %broadcast_in_dim3A_113 = vector.broadcast %broadcast_in_dim3A_112 : i32 to vector<16xi32>
        %gather3A_114 = tpu.vector_load_idx %arg7[%broadcast_in_dim3A_113, %get3A_68] : memref<12x10000xf32, #tpu.memory_space<vmem>>[vector<16xi32>, vector<16xi32>], vector<16xf32>,
        %broadcast_in_dim3A_115 = arith.constant 11 : i32
        %broadcast_in_dim3A_116 = vector.broadcast %broadcast_in_dim3A_115 : i32 to vector<16xi32>
        %gather3A_117 = tpu.vector_load_idx %arg7[%broadcast_in_dim3A_116, %get3A_72] : memref<12x10000xf32, #tpu.memory_space<vmem>>[vector<16xi32>, vector<16xi32>], vector<16xf32>,
        %mul3A_118 = arith.mulf %gather3A_111, %gather3A_114 : vector<16xf32>
        %mul3A_119 = arith.mulf %mul3A_118, %gather3A_117 : vector<16xf32>
        %add3A_120 = arith.addf %add3A_108, %mul3A_119 : vector<16xf32>
        %mul3A_121 = arith.constant 16 : i32
        %mul3A_122 = arith.muli %scan3A_61, %mul3A_121 : i32
        %swap3A = arith.index_cast %mul3A_122 : i32 to index
        %swap3A_123 = tpu.vector_load %arg11[%swap3A] {strides = array<i32>} : memref<2000xf32, #tpu.memory_space<vmem>>, vector<16xf32>,
        tpu.vector_store %arg11[%swap3A], %add3A_120 {strides = array<i32>} : memref<2000xf32, #tpu.memory_space<vmem>>, vector<16xf32>,
      }
      %scan3A_57 = arith.constant 125 : i32
      %mul3A_58 = arith.constant 2000000 : i32
      %mul3A_59 = arith.muli %select_n3A_9, %mul3A_58 : i32
      %add3A_60 = arith.addi %mul3A_59, %add3A_52 : i32
      "tpu.region"() ({
        %run_scoped3A = tpu.sem_alloc : memref<!tpu.dma_semaphore, #tpu.memory_space<semaphore_mem>>
        %dma_start3A = tpu.memref_slice %arg6[%add3A_60] : memref<8000000xf32, #tpu.memory_space<hbm>> -> memref<2000xf32, #tpu.memory_space<hbm>>
        %dma_start3A_61 = tpu.memref_slice %arg6[%add3A_60] : memref<8000000xf32, #tpu.memory_space<hbm>> -> memref<2000xf32, #tpu.memory_space<hbm>>
        tpu.enqueue_dma source(%arg11 : memref<2000xf32, #tpu.memory_space<vmem>>) target(%dma_start3A_61 : memref<2000xf32, #tpu.memory_space<hbm>>) target_semaphore(%run_scoped3A : memref<!tpu.dma_semaphore, #tpu.memory_space<semaphore_mem>>)
        %dma_wait3A = tpu.memref_slice %arg6[%add3A_60] : memref<8000000xf32, #tpu.memory_space<hbm>> -> memref<2000xf32, #tpu.memory_space<hbm>>
        %dma_wait3A_62 = tpu.memref_slice %arg6[%add3A_60] : memref<8000000xf32, #tpu.memory_space<hbm>> -> memref<2000xf32, #tpu.memory_space<hbm>>
        tpu.wait_dma2 semaphore(%run_scoped3A : memref<!tpu.dma_semaphore, #tpu.memory_space<semaphore_mem>>) src(%arg11 : memref<2000xf32, #tpu.memory_space<vmem>>) dst(%dma_wait3A_62 : memref<2000xf32, #tpu.memory_space<hbm>>)
        tpu.yield
      }) : () -> ()
    }
    %scan3A_46 = arith.constant 125 : i32
    return
  }
}

module attributes {stable_mosaic.version = 14 : i64} {
  func.func @_tc_logdot_body(%arg0: i32, %arg1: memref<4x400000xf32, #tpu.memory_space<vmem>>, %arg2: memref<1x400000xf32, #tpu.memory_space<vmem>>, %arg3: memref<1x1xf32, #tpu.memory_space<smem>>) attributes {dimension_semantics = [#tpu.dimension_semantics<arbitrary>], iteration_bounds = array<i64: 5>, scalar_prefetch = 0 : i64, scratch_operands = 0 : i64, tpu.core_type = #tpu.core_type<tc>, window_params = [{transform_indices = @transform_0, window_bounds = array<i64: 4, 400000>}, {transform_indices = @transform_1, window_bounds = array<i64: 1, 400000>}, {transform_indices = @transform_2, window_bounds = array<i64: 1, 1>}]} {
    %get3A = arith.constant 0 : index
    %get3A_0 = arith.constant 0 : index
    %get3A_1 = vector.load %arg1[%get3A, %get3A_0] : memref<4x400000xf32, #tpu.memory_space<vmem>>, vector<1x400000xf32>
    %get3A_2 = vector.shape_cast %get3A_1 : vector<1x400000xf32> to vector<400000xf32>
    %get3A_3 = arith.constant 1 : index
    %get3A_4 = arith.constant 0 : index
    %get3A_5 = vector.load %arg1[%get3A_3, %get3A_4] : memref<4x400000xf32, #tpu.memory_space<vmem>>, vector<1x400000xf32>
    %get3A_6 = vector.shape_cast %get3A_5 : vector<1x400000xf32> to vector<400000xf32>
    %add3A = arith.addf %get3A_2, %get3A_6 : vector<400000xf32>
    %get3A_7 = arith.constant 2 : index
    %get3A_8 = arith.constant 0 : index
    %get3A_9 = vector.load %arg1[%get3A_7, %get3A_8] : memref<4x400000xf32, #tpu.memory_space<vmem>>, vector<1x400000xf32>
    %get3A_10 = vector.shape_cast %get3A_9 : vector<1x400000xf32> to vector<400000xf32>
    %add3A_11 = arith.addf %add3A, %get3A_10 : vector<400000xf32>
    %get3A_12 = arith.constant 3 : index
    %get3A_13 = arith.constant 0 : index
    %get3A_14 = vector.load %arg1[%get3A_12, %get3A_13] : memref<4x400000xf32, #tpu.memory_space<vmem>>, vector<1x400000xf32>
    %get3A_15 = vector.shape_cast %get3A_14 : vector<1x400000xf32> to vector<400000xf32>
    %add3A_16 = arith.addf %add3A_11, %get3A_15 : vector<400000xf32>
    %get3A_17 = arith.constant 0 : index
    %get3A_18 = arith.constant 0 : index
    %get3A_19 = vector.load %arg2[%get3A_17, %get3A_18] : memref<1x400000xf32, #tpu.memory_space<vmem>>, vector<1x400000xf32>
    %get3A_20 = vector.shape_cast %get3A_19 : vector<1x400000xf32> to vector<400000xf32>
    %jit3A = arith.constant 1.000000e-10 : f32
    %max3A = vector.broadcast %jit3A : f32 to vector<400000xf32>
    %max3A_21 = arith.maximumf %max3A, %add3A_16 : vector<400000xf32>
    %log3A = math.log %max3A_21 : vector<400000xf32>
    %mul3A = arith.mulf %get3A_20, %log3A : vector<400000xf32>
    %reduce_sum3A = vector.shape_cast %mul3A : vector<400000xf32> to vector<1x400000xf32>
    %reduce_sum3A_22 = arith.constant dense<0.000000e+00> : vector<1xf32>
    %reduce_sum3A_23 = vector.multi_reduction <add>, %reduce_sum3A, %reduce_sum3A_22 [1] : vector<1x400000xf32> to vector<1xf32>
    %reduce_sum3A_24 = vector.shape_cast %reduce_sum3A_23 : vector<1xf32> to vector<1x1xf32>
    %reduce_sum3A_25 = vector.extract %reduce_sum3A_24[0, 0] : f32 from vector<1x1xf32>
    %eq3A = arith.constant 0 : i32
    %eq3A_26 = arith.cmpi eq, %arg0, %eq3A : i32
    %convert_element_type3A = arith.extui %eq3A_26 : i1 to i32
    %cond3A = arith.constant 0 : i32
    %cond3A_27 = arith.cmpi ne, %convert_element_type3A, %cond3A : i32
    scf.if %cond3A_27 {
      %swap3A = arith.constant 0 : index
      %swap3A_32 = arith.constant 0 : index
      %swap3A_33 = memref.load %arg3[%swap3A, %swap3A_32] : memref<1x1xf32, #tpu.memory_space<smem>>
      memref.store %reduce_sum3A_25, %arg3[%swap3A, %swap3A_32] : memref<1x1xf32, #tpu.memory_space<smem>>
    } else {
    }
    %gt3A = arith.constant 0 : i32
    %gt3A_28 = arith.cmpi sgt, %arg0, %gt3A : i32
    %convert_element_type3A_29 = arith.extui %gt3A_28 : i1 to i32
    %cond3A_30 = arith.constant 0 : i32
    %cond3A_31 = arith.cmpi ne, %convert_element_type3A_29, %cond3A_30 : i32
    scf.if %cond3A_31 {
      %get3A_32 = arith.constant 0 : index
      %get3A_33 = arith.constant 0 : index
      %get3A_34 = memref.load %arg3[%get3A_32, %get3A_33] : memref<1x1xf32, #tpu.memory_space<smem>>
      %add3A_35 = arith.addf %get3A_34, %reduce_sum3A_25 : f32
      %swap3A = arith.constant 0 : index
      %swap3A_36 = arith.constant 0 : index
      %swap3A_37 = memref.load %arg3[%swap3A, %swap3A_36] : memref<1x1xf32, #tpu.memory_space<smem>>
      memref.store %add3A_35, %arg3[%swap3A, %swap3A_36] : memref<1x1xf32, #tpu.memory_space<smem>>
    } else {
    }
    return
  }
  func.func @transform_0(%arg0: i32) -> (i32, i32) {
    %c0_i32 = arith.constant 0 : i32
    %c0_i32_0 = arith.constant 0 : i32
    return %c0_i32, %arg0 : i32, i32
  }
  func.func @transform_1(%arg0: i32) -> (i32, i32) {
    %c0_i32 = arith.constant 0 : i32
    %c0_i32_0 = arith.constant 0 : i32
    return %c0_i32, %arg0 : i32, i32
  }
  func.func @transform_2(%arg0: i32) -> (i32, i32) {
    %c0_i32 = arith.constant 0 : i32
    %c0_i32_0 = arith.constant 0 : i32
    %c0_i32_1 = arith.constant 0 : i32
    return %c0_i32, %c0_i32_0 : i32, i32
  }
}

module attributes {stable_mosaic.version = 14 : i64} {
  func.func @_tc_final_body(%arg0: memref<50000x16xf32, #tpu.memory_space<vmem>>, %arg1: memref<10000x16xf32, #tpu.memory_space<vmem>>, %arg2: memref<10000x16xf32, #tpu.memory_space<vmem>>, %arg3: memref<1x1xf32, #tpu.memory_space<smem>>, %arg4: memref<1x1xf32, #tpu.memory_space<smem>>) attributes {dimension_semantics = [], scalar_prefetch = 0 : i64, scratch_operands = 0 : i64, tpu.core_type = #tpu.core_type<tc>} {
    %get3A = arith.constant 0 : index
    %get3A_0 = arith.constant 0 : index
    %get3A_1 = vector.load %arg0[%get3A, %get3A_0] : memref<50000x16xf32, #tpu.memory_space<vmem>>, vector<50000x16xf32>
    %reduce_sum3A = arith.constant dense<0.000000e+00> : vector<16xf32>
    %reduce_sum3A_2 = vector.multi_reduction <add>, %get3A_1, %reduce_sum3A [0] : vector<50000x16xf32> to vector<16xf32>
    %get3A_3 = arith.constant 0 : index
    %get3A_4 = arith.constant 0 : index
    %get3A_5 = vector.load %arg1[%get3A_3, %get3A_4] : memref<10000x16xf32, #tpu.memory_space<vmem>>, vector<10000x16xf32>
    %reduce_sum3A_6 = arith.constant dense<0.000000e+00> : vector<16xf32>
    %reduce_sum3A_7 = vector.multi_reduction <add>, %get3A_5, %reduce_sum3A_6 [0] : vector<10000x16xf32> to vector<16xf32>
    %get3A_8 = arith.constant 0 : index
    %get3A_9 = arith.constant 0 : index
    %get3A_10 = vector.load %arg2[%get3A_8, %get3A_9] : memref<10000x16xf32, #tpu.memory_space<vmem>>, vector<10000x16xf32>
    %reduce_sum3A_11 = arith.constant dense<0.000000e+00> : vector<16xf32>
    %reduce_sum3A_12 = vector.multi_reduction <add>, %get3A_10, %reduce_sum3A_11 [0] : vector<10000x16xf32> to vector<16xf32>
    %mul3A = arith.mulf %reduce_sum3A_2, %reduce_sum3A_7 : vector<16xf32>
    %mul3A_13 = arith.mulf %mul3A, %reduce_sum3A_12 : vector<16xf32>
    %reduce_sum3A_14 = vector.shape_cast %mul3A_13 : vector<16xf32> to vector<1x16xf32>
    %reduce_sum3A_15 = arith.constant dense<0.000000e+00> : vector<1xf32>
    %reduce_sum3A_16 = vector.multi_reduction <add>, %reduce_sum3A_14, %reduce_sum3A_15 [1] : vector<1x16xf32> to vector<1xf32>
    %reduce_sum3A_17 = vector.shape_cast %reduce_sum3A_16 : vector<1xf32> to vector<1x1xf32>
    %reduce_sum3A_18 = vector.extract %reduce_sum3A_17[0, 0] : f32 from vector<1x1xf32>
    %get3A_19 = arith.constant 0 : index
    %get3A_20 = arith.constant 0 : index
    %get3A_21 = memref.load %arg3[%get3A_19, %get3A_20] : memref<1x1xf32, #tpu.memory_space<smem>>
    %sub3A = arith.subf %get3A_21, %reduce_sum3A_18 : f32
    %div3A = arith.constant 5.000000e+04 : f32
    %div3A_22 = arith.divf %sub3A, %div3A : f32
    %neg3A = arith.constant 0.000000e+00 : f32
    %neg3A_23 = arith.subf %neg3A, %div3A_22 : f32
    %swap3A = arith.constant 0 : index
    %swap3A_24 = arith.constant 0 : index
    %swap3A_25 = memref.load %arg4[%swap3A, %swap3A_24] : memref<1x1xf32, #tpu.memory_space<smem>>
    memref.store %neg3A_23, %arg4[%swap3A, %swap3A_24] : memref<1x1xf32, #tpu.memory_space<smem>>
    return
  }
}

</mosaic_0001>

<sc_bundles>
// kernel: kernel.5.cloned.1.call-start
scs
__scs_entry_jumppad:
0x0: {  	(pc) =	sbr.rel $0x88, $3  }
0x1: {  	(tag) =	ssettag $0x0;
	lr =	simm.s32 $0x1  }
0x2: {  	[smem:$0x3F9C] =	sst lr;
	_ =	strace $0xD0000000  }
0x3: {  	_ = 	snop  }
0x4: {  	_ = 	snop  }
0x5: {  	_ = 	snop  }
0x6: {  	_ = 	snop  }
0x7: {  	_ = 	snop  }
__scs_overlays_trampoline_lowered:
0x8: {  	[smem:$0x3FAB] =	sst s0  }
0x9: {  	[smem:$0x3FAC] =	sst s1  }
0xa: {  	[smem:$0x3FAD] =	sst s2  }
0xb: {  	[smem:$0x3FAE] =	sst s3  }
0xc: {  	[smem:$0x3FAF] =	sst s4  }
0xd: {  	[smem:$0x3FB0] =	sst s5  }
0xe: {  	[smem:$0x3FB1] =	sst s6  }
0xf: {  	[smem:$0x3FB2] =	sst s7  }
0x10: {  	[smem:$0x3FB3] =	sst s8  }
0x11: {  	[smem:$0x3FB4] =	sst s9;
	s0 =	simm.s32 @!p0 $0x0  }
0x12: {  	s1 =	sld [smem:$0x3F9A];
	s0 =	simm.s32 @p0 $0x1  }
0x13: {  	[smem:$0x3FB5] =	sst s0;
	s0 =	simm.s32 @!p1 $0x0  }
0x14: {  	s2 =	sld [smem:$0x3F99];
	s0 =	simm.s32 @p1 $0x1  }
0x15: {  	[smem:$0x3FB6] =	sst s0;
	s0 =	simm.s32 @!p2 $0x0  }
0x16: {  	s3 =	sld [smem:$0x3FDB];
	s0 =	simm.s32 @p2 $0x1  }
0x17: {  	s4 =	simm.s32 $0x1BF5;
	[smem:$0x3FB8] =	sst s0  }
0x18: {  	s0 =	sld [smem:$0x3F9B];
	_ =	swait.ge [sflag:s4], $0x0  }
0x19: {  	s7 =	sld [smem:$0x3F9C]  }
0x1a: {  	s8 =	sadd.s32 $0xFFFFE003, lr  }
0x1b: {  	s9 =	sadd.s32 $0xFFFFFEF7, lr;
	s5 =	simm.s32 $0xFFFFFFFF;
	p2 =	slt.u32 s8, $0xFFFFF086  }
0x1c: {  	p1 =	slt.u32 s9, $0xF7A;
	s5 =	simm.s32 @!p2 $0x0  }
0x1d: {  	s5 =	simm.s32 @p1 $0x1;
	p0 =	seq.s32 s7, s2  }
0x1e: {  	s7 =	smul.u32 @!p0 $0xF7A, s2;
	p2 =	seq.s32 @!p0 s5, $0x0  }
0x1f: {  	s9 =	smul.u32 $0xF7A, s1;
	s8 =	simm.s32 @!p0 $0x1BF5;
	p2 =	por !p2, p0  }
0x20: {  	[sflag:s8] =	ssyncset.s32 @!p0 $0xFFFFF086;
	s6 =	sadd.s32 @!p0 s3, s7;
	s7 =	simm.s32 @!p0 $0x108  }
0x21: {  	s3 =	sadd.s32 s3, s9;
	s6 =	sadd.s32 @!p0 $0x88, s6;
	s7 =	simm.s32 @p2 $0x1082  }
0x22: {  	[simem:s7], [sflag:s8] =	dma.local @!p0 [hbm:s6], $0xF7A  }
0x23: {  	s9 =	sor.u32 $0xD0000000, s2;
	s6 =	simm.s32 $0x108;
	_ =	swait.ge @!p0 [sflag:s8], $0x0  }
0x24: {  	s3 =	sadd.s32 $0x88, s3;
	s6 =	simm.s32 @!p1 $0x1082;
	[sflag:s4] =	ssyncset.s32 $0xFFFFF086  }
0x25: {  	[simem:s6], [sflag:s4] =	dma.local [hbm:s3], $0xF7A  }
0x26: {  	[smem:$0x3F9C] =	sst s1;
	(tag) =	ssettag s2;
	_ =	strace s9  }
0x27: {  	s1 =	sld [smem:$0x3FAC]  }
0x28: {  	s2 =	sld [smem:$0x3FAD]  }
0x29: {  	s4 =	sld [smem:$0x3FAF]  }
0x2a: {  	p0 =	seq.s32 s5, $0x0;
	s5 =	sld [smem:$0x3FB0]  }
0x2b: {  	s6 =	sld [smem:$0x3FB1]  }
0x2c: {  	s7 =	sld [smem:$0x3FB2]  }
0x2d: {  	s3 =	simm.s32 $0x108;
	s8 =	sld [smem:$0x3FB3]  }
0x2e: {  	s3 =	simm.s32 @!p0 $0x1082;
	s9 =	sld [smem:$0x3FB4]  }
0x2f: {  	lr =	sadd.s32 s0, s3;
	s0 =	sld [smem:$0x3FAB]  }
0x30: {  	s3 =	sld [smem:$0x3FAE]  }
0x31: {  	[smem:$0x3FB7] =	sst s10  }
0x32: {  	s10 =	sld [smem:$0x3FB5];
	_ =	sdelay $0x3  }
0x33: {  	p0 =	seq.s32 s10, $0x1;
	s10 =	sld [smem:$0x3FB7];
	_ =	sdelay $0x3  }
0x34: {  	[smem:$0x3FB7] =	sst s10  }
0x35: {  	s10 =	sld [smem:$0x3FB6];
	_ =	sdelay $0x3  }
0x36: {  	p1 =	seq.s32 s10, $0x1;
	s10 =	sld [smem:$0x3FB7];
	_ =	sdelay $0x3  }
0x37: {  	[smem:$0x3FB7] =	sst s10  }
0x38: {  	s10 =	sld [smem:$0x3FB8]  }
0x39: {  	_ = 	snop;
	(pc) =	sbr.ind lr, $3  }
0x3a: {  	_ = 	snop  }
0x3b: {  	_ = 	snop  }
0x3c: {  	p2 =	seq.s32 s10, $0x1;
	s10 =	sld [smem:$0x3FB7]  }
0x3d: {  	_ =	shalt  }
0x3e: {  	_ =	shalt  }
0x3f: {  	_ =	shalt  }
0x40: {  	_ =	shalt  }
0x41: {  	_ =	shalt  }
0x42: {  	_ =	shalt  }
0x43: {  	_ =	shalt  }
0x44: {  	_ =	shalt  }
0x45: {  	_ =	shalt  }
0x46: {  	_ =	shalt  }
0x47: {  	_ =	shalt  }
0x48: {  	_ =	shalt  }
0x49: {  	_ =	shalt  }
0x4a: {  	_ =	shalt  }
0x4b: {  	_ =	shalt  }
0x4c: {  	_ =	shalt  }
0x4d: {  	_ =	shalt  }
0x4e: {  	_ =	shalt  }
0x4f: {  	_ =	shalt  }
0x50: {  	_ =	shalt  }
0x51: {  	_ =	shalt  }
0x52: {  	_ =	shalt  }
0x53: {  	_ =	shalt  }
0x54: {  	_ =	shalt  }
0x55: {  	_ =	shalt  }
0x56: {  	_ =	shalt  }
0x57: {  	_ =	shalt  }
0x58: {  	_ =	shalt  }
0x59: {  	_ =	shalt  }
0x5a: {  	_ =	shalt  }
0x5b: {  	_ =	shalt  }
0x5c: {  	_ =	shalt  }
0x5d: {  	_ =	shalt  }
0x5e: {  	_ =	shalt  }
0x5f: {  	_ =	shalt  }
0x60: {  	_ =	shalt  }
0x61: {  	_ =	shalt  }
0x62: {  	_ =	shalt  }
0x63: {  	_ =	shalt  }
0x64: {  	_ =	shalt  }
0x65: {  	_ =	shalt  }
0x66: {  	_ =	shalt  }
0x67: {  	_ =	shalt  }
0x68: {  	_ =	shalt  }
0x69: {  	_ =	shalt  }
0x6a: {  	_ =	shalt  }
0x6b: {  	_ =	shalt  }
0x6c: {  	_ =	shalt  }
0x6d: {  	_ =	shalt  }
0x6e: {  	_ =	shalt  }
0x6f: {  	_ =	shalt  }
0x70: {  	_ =	shalt  }
0x71: {  	_ =	shalt  }
0x72: {  	_ =	shalt  }
0x73: {  	_ =	shalt  }
0x74: {  	_ =	shalt  }
0x75: {  	_ =	shalt  }
0x76: {  	_ =	shalt  }
0x77: {  	_ =	shalt  }
0x78: {  	_ =	shalt  }
0x79: {  	_ =	shalt  }
0x7a: {  	_ =	shalt  }
0x7b: {  	_ =	shalt  }
0x7c: {  	_ =	shalt  }
0x7d: {  	_ =	shalt  }
0x7e: {  	_ =	shalt  }
0x7f: {  	_ =	shalt  }
0x80: {  	_ =	shalt  }
0x81: {  	_ =	shalt  }
0x82: {  	_ =	shalt  }
0x83: {  	_ =	shalt  }
0x84: {  	_ =	shalt  }
0x85: {  	_ =	shalt  }
0x86: {  	_ =	shalt  }
0x87: {  	_ =	shalt  }
.Lfunc_end0:
.L_simem_size_0:
called_computation_lowered:
.L_overlay_start_0:
0x88: {  	s2 =	sld [smem:$0x3FD9]  }
0x89: {  	s3 =	sld [smem:$0x3FFE];
	_ =	sdelay $0x1  }
0x8a: {  	s1 =	srdreg.scid  }
0x8b: {  	s0 =	sand.u32 $0x1, s1  }
0x8c: {  	s16 =	sshll.u32 s0, $0xA;
	s2 =	sadd.s32 s3, s2  }
0x8d: {  	s2 =	sadd.s32 s2, s16  }
0x8e: {  	[smem:$0x3FC3] =	sst s2  }
0x8f: {  	_ = 	snop  }
0x90: {  	(tm) =	ssettm $0x1  }
0x91: {  	s17 =	sld [smem:$0x3FFB];
	_ =	sdelay $0x3  }
0x92: {  	_ =	strace s17  }
0x93: {  	s2 =	sld [smem:$0x3FFC];
	_ =	sdelay $0x3  }
0x94: {  	_ =	strace s2  }
0x95: {  	s2 =	sld [smem:$0x3FFD];
	_ =	sdelay $0x3  }
0x96: {  	_ =	strace s2  }
0x97: {  	_ =	strace $0x8FFFFFFF  }
0x98: {  	s18 =	sld [smem:$0x3FDB];
	_ =	sdelay $0x1  }
0x99: {  	s19 =	simm.s32 $_scs_section_size  }
0x9a: {  	s4 =	simm.s32 $_size__tile_overlayer_lowered;
	s5 =	simm.s32 $_tile_overlayer_lowered  }
0x9b: {  	s22 =	simm.s32 $0x1BFF;
	s21 =	sshll.u32 s5, $0x1;
	s2 =	sadd.s32 s19, s18  }
0x9c: {  	s6 =	simm.s32 $0x0;
	s20 =	sshll.u32 s4, $0x1;
	s4 =	sadd.s32 s21, s2  }
0x9d: {  	[timem:s6], [sflag:s22] =	dma.local [hbm:s4], s20  }
0x9e: {  	_ =	swait.ge [sflag:s22], s20  }
0x9f: {  	s3 =	ssub.s32 $0x0, s20;
	[sflag:s22] =	ssyncset.done $0x0  }
0xa0: {  	[sflag:s22] =	ssyncadd.s32 s3;
	_ =	sdelay $0x1  }
0xa1: {  	s23 =	simm.s32 $0x1B8B  }
0xa2: {  	_ =	swait.ge [sflag:s23], $0x1  }
0xa3: {  	[sflag:s23] =	ssyncset.done $0x0  }
0xa4: {  	s25 =	simm.s32 $0x1B8E;
	s24 =	sld [smem:$0x3FFE];
	[sflag:s23] =	ssyncadd.s32 $0xFFFFFFFF  }
0xa5: {  	s26 =	simm.s32 $execute0_lowered;
	[smem:$0x3FD2] =	sst s25  }
0xa6: {  	s4 =	sshll.u32 s26, $0x1;
	_ =	strace $0x80000046;
	[dreg:$0x1] =	wrdreg $0xFFFFFFFF  }
0xa7: {  	s28 =	simm.s32 $_size_execute0_lowered;
	s2 =	sadd.s32 s2, s4;
	[dreg:$0x0] =	wrdreg $0x0  }
0xa8: {  	s4 =	sshll.u32 s28, $0x1;
	[dreg:$0x2] =	wrdreg s2  }
0xa9: {  	[dreg:$0x3] =	wrdreg s4  }
0xaa: {  	[dreg:$0x4] =	wrdreg $0xC0  }
0xab: {  	_ =	task [dreg:s6], $0x5FFFF  }
0xac: {  	[dreg:$0x1] =	wrdreg $0xFFFFFFFF  }
0xad: {  	[dreg:$0x0] =	wrdreg $0x60  }
0xae: {  	[dreg:$0x2] =	wrdreg s24  }
0xaf: {  	[dreg:$0x3] =	wrdreg $0x9  }
0xb0: {  	_ =	task.clear_ibuf [dreg:s6], $0x4FFFF;
	_ =	strace $0x90000046  }
0xb1: {  	s29 =	simm.s32 $0x9;
	_ =	strace $0x80000048  }
0xb2: {  	_ =	swait.ge [sflag:s29], $0x1  }
0xb3: {  	[sflag:s29] =	ssyncadd.s32 $0xFFFFFFFF  }
0xb4: {  	_ =	strace $0x90000048  }
0xb5: {  	_ =	sfence  }
0xb6: {  	s30 =	sld [smem:$0x0];
	_ =	sdelay $0x2  }
0xb7: {  	s31 =	sshll.u32 s1, $0xD;
	s1 =	sshrl.u32 s1, $0x2  }
0xb8: {  	s3 =	sand.u32 $0x4000, s31;
	s1 =	sadd.s32 s1, s30  }
0xb9: {  	s0 =	sor.u32 s3, s0;
	s1 =	sshll.u32 s1, $0x11  }
0xba: {  	s0 =	sor.u32 s1, s0  }
0xbb: {  	s0 =	sadd.s32 $0x8F2B, s0  }
0xbc: {  	[sflag:s0] =	ssyncadd.remote.s32 $0x1  }
0xbd: {  	_ =	sfence.sel $0xFFFF  }
0xbe: {  	[dreg:$0x0] =	wrdreg $0xFFFFFFFF;
	(pc) =	sbr.abs _section_cstart, $3  }
0xbf: {  	[dreg:$0x1] =	wrdreg $0xFFFFFFFF  }
0xc0: {  	_ =	task.clear_ibuf [dreg:s6], $0x2FFFF;
	_ =	strace $0x9FFFFFFF  }
0xc1: {  	(tm) =	ssettm $0x7FFFFFFF  }
tec
execute0_lowered:
.L_overlay_start_1:
0x0: {  	(tag) =	ssettag $0x1  }
0x1: {  	s6 =	rddreg [dreg:$0x0]  }
0x2: {  	s0 =	rddreg [dreg:$0x1]  }
0x3: {  	s2 =	simm.s32 $0x0;
	s1 =	stileid.u32;
	s4 =	srdreg.scid  }
0x4: {  	s14 =	simm.s32 $0x9C40;
	s15 =	simm.s32 $0x13880;
	s16 =	simm.s32 $0x1D4C0  }
0x5: {  	s17 =	simm.s32 $0x1DC90;
	s18 =	simm.s32 $0x1E460;
	s19 =	simm.s32 $0x1EC30  }
0x6: {  	s20 =	simm.s32 $0x0;
	[smem:$0x7FF] =	sst s2;
	s5 =	sshll.u32 s1, $0x1  }
0x7: {  	s3 =	sadd.s32 $0x7AA00, s6;
	s7 =	sand.u32 $0x1, s4;
	s4 =	sadd.s32 $0x3D800, s6  }
0x8: {  	s29 =	sadd.s32 $0xB7C00, s6;
	s30 =	sshrl.u32 s1, $0x1;
	s8 =	sand.u32 $0x2, s5  }
0x9: {  	_ =	strace $0x80000047;
	s11 =	sor.u32 s7, s8;
	s8 =	smul.u32 $0x3D090, s30  }
0xa: {  	s5 =	sadd.s32 $0x600, s6;
	s7 =	ssub.s32 $0x2, s7;
	s9 =	smul.u32 $0x9C40, s11  }
0xb: {  	s6 =	sadd.s32 $0xC6800, s6;
	s10 =	sshrl.u32 s7, $0x1;
	s12 =	smul.u32 $0x1388, s11  }
0xc: {  	s11 =	smul.u32 $0x1E8480, s11;
	s13 =	ssub.s32 s7, s10;
	s9 =	sshrl.u32 s9, $0x3  }
0xd: {  	s7 =	sadd.s32 s29, s12;
	s12 =	smax.u32 s13, $0x1;
	s31 =	sadd.s32 s29, s9  }
0xe: {  	s13 =	simm.s32 $0x1;
	s9 =	sadd.s32 $0x4E20, s31;
	s10 =	sadd.s32 $0x9C40, s31  }
.LBB2_1:
0xf: {  	[tilespmem:s2], [sflag:$0x1] =	stream.linear.gather [hbm4b:s7+s2], $0x9C40, $0x38;
	[tilespmem:$0x1F400] =	vst v63  }
0x10: {  	_ =	swait.ge [sflag:s13], $0x9C40  }
0x11: {  	[sflag:s13] =	ssyncset.done $0x0  }
0x12: {  	[sflag:s13] =	ssyncadd.s32 $0xFFFF63C0  }
0x13: {  	[tilespmem:s14], [sflag:$0x1] =	stream.linear.gather [hbm4b:s9+s2], $0x9C40, $0x38;
	[tilespmem:$0x1F400] =	vst v63  }
0x14: {  	_ =	swait.ge [sflag:s13], $0x9C40  }
0x15: {  	[sflag:s13] =	ssyncset.done $0x0  }
0x16: {  	[sflag:s13] =	ssyncadd.s32 $0xFFFF63C0  }
0x17: {  	[tilespmem:s15], [sflag:$0x1] =	stream.linear.gather [hbm4b:s10+s2], $0x9C40, $0x38;
	[tilespmem:$0x1F400] =	vst v63  }
0x18: {  	_ =	swait.ge [sflag:s13], $0x9C40  }
0x19: {  	[sflag:s13] =	ssyncset.done $0x0  }
0x1a: {  	s21 =	simm.s32 $0x0;
	[sflag:s13] =	ssyncadd.s32 $0xFFFF63C0  }
.LBB2_2:
0x1b: {  	s22 =	smul.u32 $0x7D0, s21;
	_ =	sdelay $0x1  }
0x1c: {  	s22 =	sadd.s32 s8, s22  }
0x1d: {  	s23 =	sshrl.u32 s22, $0x3  }
0x1e: {  	s25 =	simm.s32 $0x0;
	s24 =	sadd.s32 s3, s23  }
0x1f: {  	[tilespmem:s16], [sflag:$0x1] =	stream.linear.gather [hbm4b:s24+s25], $0x7D0, $0x38;
	[tilespmem:$0x1F400] =	vst v63  }
0x20: {  	_ =	swait.ge [sflag:s13], $0x7D0  }
0x21: {  	[sflag:s13] =	ssyncset.done $0x0  }
0x22: {  	s31 =	sadd.s32 s4, s23;
	[sflag:s13] =	ssyncadd.s32 $0xFFFFF830  }
0x23: {  	[tilespmem:s17], [sflag:$0x1] =	stream.linear.gather [hbm4b:s31+s25], $0x7D0, $0x38;
	[tilespmem:$0x1F400] =	vst v63  }
0x24: {  	_ =	swait.ge [sflag:s13], $0x7D0  }
0x25: {  	[sflag:s13] =	ssyncset.done $0x0  }
0x26: {  	s23 =	sadd.s32 s5, s23;
	[sflag:s13] =	ssyncadd.s32 $0xFFFFF830  }
0x27: {  	[tilespmem:s18], [sflag:$0x1] =	stream.linear.gather [hbm4b:s23+s25], $0x7D0, $0x38;
	[tilespmem:$0x1F400] =	vst v63  }
0x28: {  	_ =	swait.ge [sflag:s13], $0x7D0  }
0x29: {  	[sflag:s13] =	ssyncset.done $0x0  }
0x2a: {  	s23 =	simm.s32 $0x0;
	[sflag:s13] =	ssyncadd.s32 $0xFFFFF830  }
0x2b: {  	v0 =	vld [tilespmem:s23+$0x1E460]  }
0x2c: {  	v2 =	vld [tilespmem:s23+$0x1D4C0];
	_ =	sdelay $0x1  }
0x2d: {  	v1 =	vld [tilespmem:s23+$0x1DC90];
	_ =	sdelay $0x1  }
0x2e: {  	v3 =	vadd.s32 $0x186A0, v0  }
0x2f: {  	v4 =	vadd.s32 $0x15F90, v0  }
0x30: {  	v5 =	vadd.s32 $0x13880, v0  }
0x31: {  	v6 =	vadd.s32 $0x9C40, v1  }
0x32: {  	v7 =	vadd.s32 $0x2710, v2;
	v11 =	vld.idx.msk [tilespmem:v2+s2+$0x0], $0xffff  }
0x33: {  	v8 =	vld.idx.msk [tilespmem:v3+s2+$0x0], $0xffff;
	v3 =	vadd.s32 $0xC350, v1  }
0x34: {  	v9 =	vadd.s32 $0x4E20, v2;
	v4 =	vld.idx.msk [tilespmem:v4+s2+$0x0], $0xffff  }
0x35: {  	v10 =	vadd.s32 $0xEA60, v1;
	v5 =	vld.idx.msk [tilespmem:v5+s2+$0x0], $0xffff  }
0x36: {  	v2 =	vadd.s32 $0x7530, v2;
	v6 =	vld.idx.msk [tilespmem:v6+s2+$0x0], $0xffff  }
0x37: {  	v7 =	vld.idx.msk [tilespmem:v7+s2+$0x0], $0xffff;
	v1 =	vadd.s32 $0x11170, v1  }
0x38: {  	v0 =	vadd.s32 $0x1ADB0, v0;
	v3 =	vld.idx.msk [tilespmem:v3+s2+$0x0], $0xffff  }
0x39: {  	v9 =	vld.idx.msk [tilespmem:v9+s2+$0x0], $0xffff  }
0x3a: {  	v10 =	vld.idx.msk [tilespmem:v10+s2+$0x0], $0xffff  }
0x3b: {  	v12 =	vld.idx.msk [tilespmem:v2+s2+$0x0], $0xffff;
	v2 =	vmul.f32 v6, v11  }
0x3c: {  	v6 =	vld.idx.msk [tilespmem:v1+s2+$0x0], $0xffff  }
0x3d: {  	s24 =	simm.s32 $0x10;
	v1 =	vmul.f32 v5, v2;
	v2 =	vld.idx.msk [tilespmem:v0+s2+$0x0], $0xffff;
	v3 =	vmul.f32 v3, v7  }
0x3e: {  	v0 =	vld [tilespmem:s24+$0x1E460]  }
0x3f: {  	v5 =	vadd.f32 $0.0e+00, v1;
	v3 =	vmul.f32 v4, v3;
	v4 =	vmul.f32 v10, v9;
	_ =	sdelay $0x1  }
0x40: {  	s25 =	simm.s32 $0x80;
	v1 =	vld [tilespmem:s24+$0x1DC90];
	v3 =	vadd.f32 v3, v5;
	v4 =	vmul.f32 v8, v4;
	v5 =	vmul.f32 v6, v12  }
.LBB2_3:
0x41: {  	p0 =	sne.s32 s25, $0x1F00  }
0x42: {  	v6 =	vld [tilespmem:s24+$0x1D4C0];
	v7 =	vadd.s32 $0x186A0, v0;
	v3 =	vadd.f32 v4, v3;
	v2 =	vmul.f32 v2, v5  }
0x43: {  	v4 =	vadd.s32 $0x15F90, v0  }
0x44: {  	v5 =	vadd.s32 $0x13880, v0;
	v2 =	vadd.f32 v2, v3  }
0x45: {  	v3 =	vadd.s32 $0x9C40, v1  }
0x46: {  	[tilespmem:s23+$0x1EC30] =	vst v2;
	s23 =	smov.u32 s24  }
0x47: {  	v2 =	vadd.s32 $0x2710, v6;
	v7 =	vld.idx.msk [tilespmem:v7+s2+$0x0], $0xffff  }
0x48: {  	v8 =	vadd.s32 $0xC350, v1;
	v4 =	vld.idx.msk [tilespmem:v4+s2+$0x0], $0xffff  }
0x49: {  	v9 =	vadd.s32 $0x4E20, v6;
	v5 =	vld.idx.msk [tilespmem:v5+s2+$0x0], $0xffff  }
0x4a: {  	v10 =	vadd.s32 $0xEA60, v1;
	v3 =	vld.idx.msk [tilespmem:v3+s2+$0x0], $0xffff  }
0x4b: {  	v11 =	vld.idx.msk [tilespmem:v6+s2+$0x0], $0xffff;
	v6 =	vadd.s32 $0x7530, v6  }
0x4c: {  	v1 =	vadd.s32 $0x11170, v1;
	v2 =	vld.idx.msk [tilespmem:v2+s2+$0x0], $0xffff  }
0x4d: {  	v8 =	vld.idx.msk [tilespmem:v8+s2+$0x0], $0xffff  }
0x4e: {  	v0 =	vadd.s32 $0x1ADB0, v0;
	v9 =	vld.idx.msk [tilespmem:v9+s2+$0x0], $0xffff  }
0x4f: {  	v10 =	vld.idx.msk [tilespmem:v10+s2+$0x0], $0xffff  }
0x50: {  	v6 =	vld.idx.msk [tilespmem:v6+s2+$0x0], $0xffff  }
0x51: {  	v3 =	vmul.f32 v3, v11;
	v11 =	vld.idx.msk [tilespmem:v1+s2+$0x0], $0xffff;
	_ =	sdelay $0x1  }
.Ltmp0:
0x52: {  	s24 =	sshra.s32 s25, $0x2;
	v1 =	vmul.f32 v5, v3;
	v3 =	vmul.f32 v8, v2;
	v2 =	vld.idx.msk [tilespmem:v0+s2+$0x0], $0xffff;
	(pc) =	sbr.rel @p0 .LBB2_3-.Ltmp0, $3  }
0x53: {  	v0 =	vld [tilespmem:s24+$0x1E460]  }
0x54: {  	v5 =	vadd.f32 $0.0e+00, v1;
	v3 =	vmul.f32 v4, v3;
	v4 =	vmul.f32 v10, v9;
	_ =	sdelay $0x1  }
0x55: {  	s25 =	sadd.s32 $0x40, s25;
	v3 =	vadd.f32 v3, v5;
	v4 =	vmul.f32 v7, v4;
	v5 =	vmul.f32 v11, v6;
	v1 =	vld [tilespmem:s24+$0x1DC90]  }
0x56: {  	_ = 	snop  }
0x57: {  	v6 =	vld [tilespmem:s24+$0x1D4C0];
	v7 =	vadd.s32 $0x186A0, v0;
	v3 =	vadd.f32 v4, v3;
	v2 =	vmul.f32 v2, v5  }
0x58: {  	v56 =	vadd.s32 $0x15F90, v0  }
0x59: {  	v57 =	vadd.s32 $0x13880, v0;
	v2 =	vadd.f32 v2, v3;
	_ =	sdelay $0x1  }
0x5a: {  	v58 =	vadd.s32 $0x9C40, v1;
	[tilespmem:s23+$0x1EC30] =	vst v2  }
0x5b: {  	v8 =	vadd.s32 $0xC350, v1;
	v7 =	vld.idx.msk [tilespmem:v7+s2+$0x0], $0xffff  }
0x5c: {  	v59 =	vadd.s32 $0x2710, v6;
	v4 =	vld.idx.msk [tilespmem:v56+s2+$0x0], $0xffff  }
0x5d: {  	v10 =	vadd.s32 $0xEA60, v1;
	v5 =	vld.idx.msk [tilespmem:v57+s2+$0x0], $0xffff  }
0x5e: {  	v9 =	vadd.s32 $0x4E20, v6;
	v11 =	vld.idx.msk [tilespmem:v6+s2+$0x0], $0xffff  }
0x5f: {  	v60 =	vadd.s32 $0x11170, v1;
	v3 =	vld.idx.msk [tilespmem:v58+s2+$0x0], $0xffff  }
0x60: {  	v6 =	vadd.s32 $0x7530, v6;
	v8 =	vld.idx.msk [tilespmem:v8+s2+$0x0], $0xffff  }
0x61: {  	v2 =	vld.idx.msk [tilespmem:v59+s2+$0x0], $0xffff  }
0x62: {  	v61 =	vadd.s32 $0x1ADB0, v0;
	v10 =	vld.idx.msk [tilespmem:v10+s2+$0x0], $0xffff  }
0x63: {  	v9 =	vld.idx.msk [tilespmem:v9+s2+$0x0], $0xffff  }
0x64: {  	v1 =	vld.idx.msk [tilespmem:v60+s2+$0x0], $0xffff;
	v3 =	vmul.f32 v3, v11  }
0x65: {  	v6 =	vld.idx.msk [tilespmem:v6+s2+$0x0], $0xffff  }
0x66: {  	v2 =	vmul.f32 v8, v2;
	v3 =	vmul.f32 v5, v3  }
0x67: {  	v0 =	vld.idx.msk [tilespmem:v61+s2+$0x0], $0xffff  }
0x68: {  	v62 =	vmul.f32 v10, v9;
	v2 =	vmul.f32 v4, v2;
	v3 =	vadd.f32 $0.0e+00, v3;
	_ =	sdelay $0x1  }
0x69: {  	v63 =	vmul.f32 v7, v62;
	v1 =	vmul.f32 v1, v6;
	v2 =	vadd.f32 v2, v3;
	_ =	sdelay $0x1  }
0x6a: {  	v0 =	vmul.f32 v0, v1;
	v2 =	vadd.f32 v63, v2;
	_ =	sdelay $0x1  }
0x6b: {  	s22 =	sadd.s32 s11, s22;
	s21 =	sadd.s32 $0x1, s21;
	v0 =	vadd.f32 v0, v2  }
0x6c: {  	s22 =	sshrl.u32 s22, $0x3;
	p0 =	sne.s32 s21, $0x7D  }
.Ltmp1:
0x6d: {  	s22 =	sadd.s32 s6, s22;
	[tilespmem:s24+$0x1EC30] =	vst v0;
	(pc) =	sbr.rel @p0 .LBB2_2-.Ltmp1, $4  }
0x6e: {  	[hbm4b:s22+s2] =	stream.linear.scatter [tilespmem:s19], [sflag:$0x1], $0x7D0, $0x38;
	[tilespmem:$0x1F400] =	vst v63  }
0x6f: {  	_ =	swait.ge [sflag:s13], $0x7D0  }
0x70: {  	[sflag:s13] =	ssyncset.done $0x0  }
0x71: {  	[sflag:s13] =	ssyncadd.s32 $0xFFFFF830  }
0x72: {  	s20 =	sadd.s32 $0x1, s20  }
0x73: {  	p0 =	sne.s32 s20, s12  }
.Ltmp2:
0x74: {  	_ = 	snop;
	(pc) =	sbr.rel @p0 .LBB2_1-.Ltmp2, $1  }
0x75: {  	_ =	sdelay $0x3  }
0x76: {  	_ =	sfence.sel $0x180000  }
0x77: {  	[bflag:$0x0] =	sbarrier.arrive $0xFFFF  }
0x78: {  	p0 =	sne.s32 s1, $0x0;
	_ =	strace $0x90000047  }
0x79: {  	s0 =	sadd.s32 @!p0 $0x100000, s0;
	[bflag:$0x2] =	sbarrier.arrive $0xFFFF  }
0x7a: {  	[sflag:s0] =	ssyncadd.tile.s32 @!p0 $0x1;
	_ =	shalt  }
.Lfunc_end2:
_tile_overlayer_lowered:
.L_overlay_start_2:
0x7b: {  	(tag) =	ssettag $0x2  }
0x7c: {  	s0 =	rddreg [dreg:$0x0];
	s2 =	stileid.u32  }
0x7d: {  	s1 =	rddreg [dreg:$0x1];
	p0 =	sne.s32 s2, $0x0  }
0x7e: {  	s3 =	rddreg [dreg:$0x2];
	[bflag:$0x3] =	sbarrier.arrive $0xFFFF;
	s2 =	simm.s32 @!p0 $0x1C01  }
0x7f: {  	[timem:s3], [sflag:s2] =	dma.local @!p0 [hbm:s0], s1  }
0x80: {  	s0 =	simm.s32 @!p0 $0x1  }
0x81: {  	_ =	swait.ge @!p0 [sflag:s0], s1  }
0x82: {  	s1 =	ssub.s32 @!p0 $0x0, s1;
	[sflag:s0] =	ssyncset.done @!p0 $0x0  }
0x83: {  	[sflag:s0] =	ssyncadd.s32 @!p0 s1  }
0x84: {  	[bflag:$0x3] =	sbarrier.arrive $0xFFFF  }
0x85: {  	_ =	shalt  }

</sc_bundles>
